<compile_context>
chip_gen: v7x
topology: tpu7x:2x2x1
jax: 0.10.2.dev20260603
libtpu: 0.0.44.dev20260713+nightly
codegen_flags: <defaults>
</compile_context>

<pallas_src>
import functools

import jax
import jax.numpy as jnp
import numpy as np
from jax import lax
from jax.experimental import pallas as pl
from jax.experimental.pallas import tpu as pltpu
from jax.experimental.pallas import tpu_sc as plsc

_N, _C, _HW = 2, 16, 2
_M = 8
_P = 0.9


_LOGR = np.array([
    3199513937, 3216602288, 3192775243, 3219266196, 3228088914, 3181704963,
    3199905034, 3211788074, 3199480562, 3212465786, 3190863089, 3215365642,
    3217659141, 3207346138, 3226620343, 3194188212, 3214422459, 3220771800,
    3207883947, 3190892063, 3210262322, 3226317113, 3145898377, 3206613649,
    3190658474, 3201775186, 3205630593, 3196871019, 3223269318, 3192531888,
    3196788558, 3177832035,
], dtype=np.uint32).view(np.float32).reshape(_N, _C)
_BERN = np.array([
    1, 1, 1, 1, 1, 1, 1, 1, 1, 1, 1, 0, 0, 1, 0, 1,
    1, 1, 1, 1, 1, 1, 1, 1, 1, 0, 1, 1, 1, 1, 1, 0,
], dtype=np.float32).reshape(_N, _C)

_mesh = plsc.VectorSubcoreMesh(
    core_axis_name="c", subcore_axis_name="s", num_cores=1, num_subcores=16
)


@functools.partial(
    pl.kernel,
    out_type=jax.ShapeDtypeStruct((_N, _HW, _C), jnp.float32),
    mesh=_mesh,
    scratch_types=[
        pltpu.VMEM((_HW, _C), jnp.float32),
        pltpu.VMEM((_HW, _C), jnp.float32),
    ],
    compiler_params=pltpu.CompilerParams(
        needs_layout_passes=False,
        disable_bounds_checks=True,
        disable_semaphore_checks=True,
        skip_device_barrier=True,
    ),
)
def _drop_channel_sc(x_hbm, out_hbm, xv, ov):
    row = lax.axis_index("s")

    def _const_vec(vals, lane):
        v = jnp.full((_C,), float(vals[0]), jnp.float32)
        for j in range(1, _C):
            v = jnp.where(lane == j, float(vals[j]), v)
        return v

    @pl.when(row < _N)
    def _():
        pltpu.sync_copy(x_hbm.at[row], xv)

        lane = lax.iota(jnp.int32, _C)
        is0 = jnp.broadcast_to(row == 0, (_C,))
        wv = jnp.where(is0, _const_vec(_LOGR[0], lane), _const_vec(_LOGR[1], lane))
        gv = jnp.where(is0, _const_vec(_BERN[0], lane), _const_vec(_BERN[1], lane))

        x0 = xv[0, :]
        x1 = xv[1, :]
        score = (x0 + x1) * 0.5
        keyv = jnp.exp(wv / score)

        sorted_asc, _ = plsc.sort_key_val(keyv, keyv)
        mth = jnp.sum(jnp.where(lane == (_C - _M), sorted_asc, 0.0))

        keep = keyv >= mth
        ssum = jnp.broadcast_to(jnp.sum(score), (_C,))
        fsum = jnp.broadcast_to(jnp.sum(jnp.where(keep, score, 0.0)), (_C,))
        alpha = ssum / fsum
        m = jnp.where(keep, gv, 0.0) * alpha
        ov[0, :] = m * x0
        ov[1, :] = m * x1
        pltpu.sync_copy(ov, out_hbm.at[row])


def kernel(x):
    return _drop_channel_sc(x)

# --- scband reference (transcript-rebuilt; emitter-appended) ---
"""Pipeline reference for scband-drop-channel-20675972563785 (READ-ONLY COPY).

The authoritative reference and input builder live on the scoring server;
editing this copy changes nothing except your own understanding.
"""

import jax, jax.numpy as jnp
import numpy as np

N, C, H, W = 2, 16, 2, 1
WRS_RATIO = 0.5
P = 0.9


def setup_inputs(seed: int = 0) -> dict:
    key = jax.random.key(seed)
    x = jax.random.uniform(key, (N, H * W, C), dtype=jnp.float32)
    return {"x": x}


def reference(x):
    # x: (N, H*W, C) -> transpose(1,2) -> (N, C, H*W)
    xt = jnp.swapaxes(x, 1, 2)
    # __weighted_channel_dropout: mean activation per channel
    score = xt.reshape(N, C, -1).sum(axis=2) / (H * W)  # (N, C)
    # __weighted_random_selection (weighted reservoir sampling keys)
    base = jax.random.key(1)
    k_r = jax.random.fold_in(base, 0)
    k_b = jax.random.fold_in(base, 1)
    r = jax.random.uniform(k_r, (N, C), dtype=jnp.float32)
    keyv = r ** (1.0 / score)
    M = int(WRS_RATIO * C)
    sorted_desc = -jnp.sort(-keyv, axis=1)  # descending sort
    MthNum = sorted_desc[:, M - 1:M]  # (N, 1) == index_select of (M-1)-th key
    mask = keyv >= MthNum  # (N, C) bool
    score_F = jnp.where(keyv < MthNum, 0.0, score)
    alpha = score.sum(axis=1, keepdims=True) / score_F.sum(axis=1, keepdims=True)  # (N, 1)
    # __random_number_generator: independent Bernoulli(p) keep mask
    rng = jax.random.bernoulli(k_b, P, (N, C))
    m = (mask & rng).astype(jnp.float32)
    m = m * alpha  # broadcast (N,C) * (N,1)
    m = m.reshape(N, C, -1)
    m = jnp.broadcast_to(m, (N, C, H * W)).reshape(xt.shape)
    out = m * xt
    return jnp.swapaxes(out, 1, 2)

if __name__ == "__main__":
    import jax
    _d = setup_inputs()
    print(jax.jit(kernel)(*tuple(_d.values())))

</pallas_src>

<mosaic_0001>
#map = affine_map<(d0, d1) -> (0, 0, 0)>
module attributes {stable_mosaic.version = 14 : i64} {
  func.func @_drop_channel_sc(%arg0: i32, %arg1: i32, %arg2: memref<2x2x16xf32, #tpu.memory_space<hbm>>, %arg3: memref<2x2x16xf32, #tpu.memory_space<hbm>>, %arg4: memref<2x16xf32, #tpu.memory_space<vmem>>, %arg5: memref<2x16xf32, #tpu.memory_space<vmem>>) attributes {dimension_semantics = [#tpu.dimension_semantics<core_parallel>, #tpu.dimension_semantics<subcore_parallel>], iteration_bounds = array<i64: 1, 16>, scalar_prefetch = 0 : i64, scratch_operands = 2 : i64, tpu.core_type = #tpu.core_type<sc_vector_subcore>, window_params = [{transform_indices = #map}, {transform_indices = #map}]} {
    %lt3A = arith.constant 2 : i32
    %lt3A_0 = arith.cmpi slt, %arg1, %lt3A : i32
    %convert_element_type3A = arith.extui %lt3A_0 : i1 to i32
    %cond3A = arith.constant 0 : i32
    %cond3A_1 = arith.cmpi ne, %convert_element_type3A, %cond3A : i32
    scf.if %cond3A_1 {
      "tpu.region"() ({
        %run_scoped3A = tpu.sem_alloc : memref<!tpu.dma_semaphore, #tpu.memory_space<semaphore_mem>>
        %dma_start3A = arith.constant 0 : i32
        %dma_start3A_420 = arith.constant 0 : i32
        %dma_start3A_421 = tpu.memref_slice %arg2[%arg1, %dma_start3A, %dma_start3A_420] : memref<2x2x16xf32, #tpu.memory_space<hbm>> -> memref<1x2x16xf32, #tpu.memory_space<hbm>>
        %dma_start3A_422 = tpu.memref_squeeze %dma_start3A_421 : memref<1x2x16xf32, #tpu.memory_space<hbm>> -> memref<2x16xf32, #tpu.memory_space<hbm>>
        %dma_start3A_423 = arith.constant 0 : i32
        %dma_start3A_424 = arith.constant 0 : i32
        %dma_start3A_425 = tpu.memref_slice %arg2[%arg1, %dma_start3A_423, %dma_start3A_424] : memref<2x2x16xf32, #tpu.memory_space<hbm>> -> memref<1x2x16xf32, #tpu.memory_space<hbm>>
        %dma_start3A_426 = tpu.memref_squeeze %dma_start3A_425 : memref<1x2x16xf32, #tpu.memory_space<hbm>> -> memref<2x16xf32, #tpu.memory_space<hbm>>
        tpu.enqueue_dma source(%dma_start3A_426 : memref<2x16xf32, #tpu.memory_space<hbm>>) target(%arg4 : memref<2x16xf32, #tpu.memory_space<vmem>>) target_semaphore(%run_scoped3A : memref<!tpu.dma_semaphore, #tpu.memory_space<semaphore_mem>>)
        %dma_wait3A = arith.constant 0 : i32
        %dma_wait3A_427 = arith.constant 0 : i32
        %dma_wait3A_428 = tpu.memref_slice %arg2[%arg1, %dma_wait3A, %dma_wait3A_427] : memref<2x2x16xf32, #tpu.memory_space<hbm>> -> memref<1x2x16xf32, #tpu.memory_space<hbm>>
        %dma_wait3A_429 = tpu.memref_squeeze %dma_wait3A_428 : memref<1x2x16xf32, #tpu.memory_space<hbm>> -> memref<2x16xf32, #tpu.memory_space<hbm>>
        %dma_wait3A_430 = arith.constant 0 : i32
        %dma_wait3A_431 = arith.constant 0 : i32
        %dma_wait3A_432 = tpu.memref_slice %arg2[%arg1, %dma_wait3A_430, %dma_wait3A_431] : memref<2x2x16xf32, #tpu.memory_space<hbm>> -> memref<1x2x16xf32, #tpu.memory_space<hbm>>
        %dma_wait3A_433 = tpu.memref_squeeze %dma_wait3A_432 : memref<1x2x16xf32, #tpu.memory_space<hbm>> -> memref<2x16xf32, #tpu.memory_space<hbm>>
        tpu.wait_dma2 semaphore(%run_scoped3A : memref<!tpu.dma_semaphore, #tpu.memory_space<semaphore_mem>>) src(%dma_wait3A_433 : memref<2x16xf32, #tpu.memory_space<hbm>>) dst(%arg4 : memref<2x16xf32, #tpu.memory_space<vmem>>)
        tpu.yield
      }) : () -> ()
      %iota3A = tpu.iota {dimensions = array<i32: 0>} : vector<16xi32>
      %eq3A = arith.constant 0 : i32
      %eq3A_2 = arith.cmpi eq, %arg1, %eq3A : i32
      %broadcast_in_dim3A = vector.broadcast %eq3A_2 : i1 to vector<16xi1>
      %broadcast_in_dim3A_3 = arith.constant -0.352945834 : f32
      %broadcast_in_dim3A_4 = vector.broadcast %broadcast_in_dim3A_3 : f32 to vector<16xf32>
      %eq3A_5 = arith.constant 1 : i32
      %eq3A_6 = vector.broadcast %eq3A_5 : i32 to vector<16xi32>
      %eq3A_7 = arith.cmpi eq, %iota3A, %eq3A_6 : vector<16xi32>
      %jit3A = arith.constant -1.44887352 : f32
      %broadcast_in_dim3A_8 = vector.broadcast %jit3A : f32 to vector<16xf32>
      %select_n3A = arith.select %eq3A_7, %broadcast_in_dim3A_8, %broadcast_in_dim3A_4 : vector<16xi1>, vector<16xf32>
      %eq3A_9 = arith.constant 2 : i32
      %eq3A_10 = vector.broadcast %eq3A_9 : i32 to vector<16xi32>
      %eq3A_11 = arith.cmpi eq, %iota3A, %eq3A_10 : vector<16xi32>
      %jit3A_12 = arith.constant -0.201058552 : f32
      %broadcast_in_dim3A_13 = vector.broadcast %jit3A_12 : f32 to vector<16xf32>
      %select_n3A_14 = arith.select %eq3A_11, %broadcast_in_dim3A_13, %select_n3A : vector<16xi1>, vector<16xf32>
      %eq3A_15 = arith.constant 3 : i32
      %eq3A_16 = vector.broadcast %eq3A_15 : i32 to vector<16xi32>
      %eq3A_17 = arith.cmpi eq, %iota3A, %eq3A_16 : vector<16xi32>
      %jit3A_18 = arith.constant -1.7664361 : f32
      %broadcast_in_dim3A_19 = vector.broadcast %jit3A_18 : f32 to vector<16xf32>
      %select_n3A_20 = arith.select %eq3A_17, %broadcast_in_dim3A_19, %select_n3A_14 : vector<16xi1>, vector<16xf32>
      %eq3A_21 = arith.constant 4 : i32
      %eq3A_22 = vector.broadcast %eq3A_21 : i32 to vector<16xi32>
      %eq3A_23 = arith.cmpi eq, %iota3A, %eq3A_22 : vector<16xi32>
      %jit3A_24 = arith.constant -3.63637209 : f32
      %broadcast_in_dim3A_25 = vector.broadcast %jit3A_24 : f32 to vector<16xf32>
      %select_n3A_26 = arith.select %eq3A_23, %broadcast_in_dim3A_25, %select_n3A_20 : vector<16xi1>, vector<16xf32>
      %eq3A_27 = arith.constant 5 : i32
      %eq3A_28 = vector.broadcast %eq3A_27 : i32 to vector<16xi32>
      %eq3A_29 = arith.cmpi eq, %iota3A, %eq3A_28 : vector<16xi32>
      %jit3A_30 = arith.constant -0.0805492624 : f32
      %broadcast_in_dim3A_31 = vector.broadcast %jit3A_30 : f32 to vector<16xf32>
      %select_n3A_32 = arith.select %eq3A_29, %broadcast_in_dim3A_31, %select_n3A_26 : vector<16xi1>, vector<16xf32>
      %eq3A_33 = arith.constant 6 : i32
      %eq3A_34 = vector.broadcast %eq3A_33 : i32 to vector<16xi32>
      %eq3A_35 = arith.cmpi eq, %iota3A, %eq3A_34 : vector<16xi32>
      %jit3A_36 = arith.constant -0.364601433 : f32
      %broadcast_in_dim3A_37 = vector.broadcast %jit3A_36 : f32 to vector<16xf32>
      %select_n3A_38 = arith.select %eq3A_35, %broadcast_in_dim3A_37, %select_n3A_32 : vector<16xi1>, vector<16xf32>
      %eq3A_39 = arith.constant 7 : i32
      %eq3A_40 = vector.broadcast %eq3A_39 : i32 to vector<16xi32>
      %eq3A_41 = arith.cmpi eq, %iota3A, %eq3A_40 : vector<16xi32>
      %jit3A_42 = arith.constant -0.937487244 : f32
      %broadcast_in_dim3A_43 = vector.broadcast %jit3A_42 : f32 to vector<16xf32>
      %select_n3A_44 = arith.select %eq3A_41, %broadcast_in_dim3A_43, %select_n3A_38 : vector<16xi1>, vector<16xf32>
      %eq3A_45 = arith.constant 8 : i32
      %eq3A_46 = vector.broadcast %eq3A_45 : i32 to vector<16xi32>
      %eq3A_47 = arith.cmpi eq, %iota3A, %eq3A_46 : vector<16xi32>
      %jit3A_48 = arith.constant -0.351951182 : f32
      %broadcast_in_dim3A_49 = vector.broadcast %jit3A_48 : f32 to vector<16xf32>
      %select_n3A_50 = arith.select %eq3A_47, %broadcast_in_dim3A_49, %select_n3A_44 : vector<16xi1>, vector<16xf32>
      %eq3A_51 = arith.constant 9 : i32
      %eq3A_52 = vector.broadcast %eq3A_51 : i32 to vector<16xi32>
      %eq3A_53 = arith.cmpi eq, %iota3A, %eq3A_52 : vector<16xi32>
      %jit3A_54 = arith.constant -9.778820e-01 : f32
      %broadcast_in_dim3A_55 = vector.broadcast %jit3A_54 : f32 to vector<16xf32>
      %select_n3A_56 = arith.select %eq3A_53, %broadcast_in_dim3A_55, %select_n3A_50 : vector<16xi1>, vector<16xf32>
      %eq3A_57 = arith.constant 10 : i32
      %eq3A_58 = vector.broadcast %eq3A_57 : i32 to vector<16xi32>
      %eq3A_59 = arith.cmpi eq, %iota3A, %eq3A_58 : vector<16xi32>
      %jit3A_60 = arith.constant -0.172565237 : f32
      %broadcast_in_dim3A_61 = vector.broadcast %jit3A_60 : f32 to vector<16xf32>
      %select_n3A_62 = arith.select %eq3A_59, %broadcast_in_dim3A_61, %select_n3A_56 : vector<16xi1>, vector<16xf32>
      %eq3A_63 = arith.constant 11 : i32
      %eq3A_64 = vector.broadcast %eq3A_63 : i32 to vector<16xi32>
      %eq3A_65 = arith.cmpi eq, %iota3A, %eq3A_64 : vector<16xi32>
      %jit3A_66 = arith.constant -1.30145383 : f32
      %broadcast_in_dim3A_67 = vector.broadcast %jit3A_66 : f32 to vector<16xf32>
      %select_n3A_68 = arith.select %eq3A_65, %broadcast_in_dim3A_67, %select_n3A_62 : vector<16xi1>, vector<16xf32>
      %eq3A_69 = arith.constant 12 : i32
      %eq3A_70 = vector.broadcast %eq3A_69 : i32 to vector<16xi32>
      %eq3A_71 = arith.cmpi eq, %iota3A, %eq3A_70 : vector<16xi32>
      %jit3A_72 = arith.constant -1.57486022 : f32
      %broadcast_in_dim3A_73 = vector.broadcast %jit3A_72 : f32 to vector<16xf32>
      %select_n3A_74 = arith.select %eq3A_71, %broadcast_in_dim3A_73, %select_n3A_68 : vector<16xi1>, vector<16xf32>
      %eq3A_75 = arith.constant 13 : i32
      %eq3A_76 = vector.broadcast %eq3A_75 : i32 to vector<16xi32>
      %eq3A_77 = arith.cmpi eq, %iota3A, %eq3A_76 : vector<16xi32>
      %jit3A_78 = arith.constant -0.672727227 : f32
      %broadcast_in_dim3A_79 = vector.broadcast %jit3A_78 : f32 to vector<16xf32>
      %select_n3A_80 = arith.select %eq3A_77, %broadcast_in_dim3A_79, %select_n3A_74 : vector<16xi1>, vector<16xf32>
      %eq3A_81 = arith.constant 14 : i32
      %eq3A_82 = vector.broadcast %eq3A_81 : i32 to vector<16xi32>
      %eq3A_83 = arith.cmpi eq, %iota3A, %eq3A_82 : vector<16xi32>
      %jit3A_84 = arith.constant -3.28623748 : f32
      %broadcast_in_dim3A_85 = vector.broadcast %jit3A_84 : f32 to vector<16xf32>
      %select_n3A_86 = arith.select %eq3A_83, %broadcast_in_dim3A_85, %select_n3A_80 : vector<16xi1>, vector<16xf32>
      %eq3A_87 = arith.constant 15 : i32
      %eq3A_88 = vector.broadcast %eq3A_87 : i32 to vector<16xi32>
      %eq3A_89 = arith.cmpi eq, %iota3A, %eq3A_88 : vector<16xi32>
      %jit3A_90 = arith.constant -0.222113431 : f32
      %broadcast_in_dim3A_91 = vector.broadcast %jit3A_90 : f32 to vector<16xf32>
      %select_n3A_92 = arith.select %eq3A_89, %broadcast_in_dim3A_91, %select_n3A_86 : vector<16xi1>, vector<16xf32>
      %broadcast_in_dim3A_93 = arith.constant -1.18901765 : f32
      %broadcast_in_dim3A_94 = vector.broadcast %broadcast_in_dim3A_93 : f32 to vector<16xf32>
      %eq3A_95 = arith.constant 1 : i32
      %eq3A_96 = vector.broadcast %eq3A_95 : i32 to vector<16xi32>
      %eq3A_97 = arith.cmpi eq, %iota3A, %eq3A_96 : vector<16xi32>
      %jit3A_98 = arith.constant -1.94591808 : f32
      %broadcast_in_dim3A_99 = vector.broadcast %jit3A_98 : f32 to vector<16xf32>
      %select_n3A_100 = arith.select %eq3A_97, %broadcast_in_dim3A_99, %broadcast_in_dim3A_94 : vector<16xi1>, vector<16xf32>
      %eq3A_101 = arith.constant 2 : i32
      %eq3A_102 = vector.broadcast %eq3A_101 : i32 to vector<16xi32>
      %eq3A_103 = arith.cmpi eq, %iota3A, %eq3A_102 : vector<16xi32>
      %jit3A_104 = arith.constant -0.704783141 : f32
      %broadcast_in_dim3A_105 = vector.broadcast %jit3A_104 : f32 to vector<16xf32>
      %select_n3A_106 = arith.select %eq3A_103, %broadcast_in_dim3A_105, %select_n3A_100 : vector<16xi1>, vector<16xf32>
      %eq3A_107 = arith.constant 3 : i32
      %eq3A_108 = vector.broadcast %eq3A_107 : i32 to vector<16xi32>
      %eq3A_109 = arith.cmpi eq, %iota3A, %eq3A_108 : vector<16xi32>
      %jit3A_110 = arith.constant -0.172996983 : f32
      %broadcast_in_dim3A_111 = vector.broadcast %jit3A_110 : f32 to vector<16xf32>
      %select_n3A_112 = arith.select %eq3A_109, %broadcast_in_dim3A_111, %select_n3A_106 : vector<16xi1>, vector<16xf32>
      %eq3A_113 = arith.constant 4 : i32
      %eq3A_114 = vector.broadcast %eq3A_113 : i32 to vector<16xi32>
      %eq3A_115 = arith.cmpi eq, %iota3A, %eq3A_114 : vector<16xi32>
      %jit3A_116 = arith.constant -0.846545338 : f32
      %broadcast_in_dim3A_117 = vector.broadcast %jit3A_116 : f32 to vector<16xf32>
      %select_n3A_118 = arith.select %eq3A_115, %broadcast_in_dim3A_117, %select_n3A_112 : vector<16xi1>, vector<16xf32>
      %eq3A_119 = arith.constant 5 : i32
      %eq3A_120 = vector.broadcast %eq3A_119 : i32 to vector<16xi32>
      %eq3A_121 = arith.cmpi eq, %iota3A, %eq3A_120 : vector<16xi32>
      %jit3A_122 = arith.constant -3.21394181 : f32
      %broadcast_in_dim3A_123 = vector.broadcast %jit3A_122 : f32 to vector<16xf32>
      %select_n3A_124 = arith.select %eq3A_121, %broadcast_in_dim3A_123, %select_n3A_118 : vector<16xi1>, vector<16xf32>
      %eq3A_125 = arith.constant 6 : i32
      %eq3A_126 = vector.broadcast %eq3A_125 : i32 to vector<16xi32>
      %eq3A_127 = arith.cmpi eq, %iota3A, %eq3A_126 : vector<16xi32>
      %jit3A_128 = arith.constant -0.00398558797 : f32
      %broadcast_in_dim3A_129 = vector.broadcast %jit3A_128 : f32 to vector<16xf32>
      %select_n3A_130 = arith.select %eq3A_127, %broadcast_in_dim3A_129, %select_n3A_124 : vector<16xi1>, vector<16xf32>
      %eq3A_131 = arith.constant 7 : i32
      %eq3A_132 = vector.broadcast %eq3A_131 : i32 to vector<16xi32>
      %eq3A_133 = arith.cmpi eq, %iota3A, %eq3A_132 : vector<16xi32>
      %jit3A_134 = arith.constant -0.62906748 : f32
      %broadcast_in_dim3A_135 = vector.broadcast %jit3A_134 : f32 to vector<16xf32>
      %select_n3A_136 = arith.select %eq3A_133, %broadcast_in_dim3A_135, %select_n3A_130 : vector<16xi1>, vector<16xf32>
      %eq3A_137 = arith.constant 8 : i32
      %eq3A_138 = vector.broadcast %eq3A_137 : i32 to vector<16xi32>
      %eq3A_139 = arith.cmpi eq, %iota3A, %eq3A_138 : vector<16xi32>
      %jit3A_140 = arith.constant -0.169516236 : f32
      %broadcast_in_dim3A_141 = vector.broadcast %jit3A_140 : f32 to vector<16xf32>
      %select_n3A_142 = arith.select %eq3A_139, %broadcast_in_dim3A_141, %select_n3A_136 : vector<16xi1>, vector<16xf32>
      %eq3A_143 = arith.constant 9 : i32
      %eq3A_144 = vector.broadcast %eq3A_143 : i32 to vector<16xi32>
      %eq3A_145 = arith.cmpi eq, %iota3A, %eq3A_144 : vector<16xi32>
      %jit3A_146 = arith.constant -0.420336306 : f32
      %broadcast_in_dim3A_147 = vector.broadcast %jit3A_146 : f32 to vector<16xf32>
      %select_n3A_148 = arith.select %eq3A_145, %broadcast_in_dim3A_147, %select_n3A_142 : vector<16xi1>, vector<16xf32>
      %eq3A_149 = arith.constant 10 : i32
      %eq3A_150 = vector.broadcast %eq3A_149 : i32 to vector<16xi32>
      %eq3A_151 = arith.cmpi eq, %iota3A, %eq3A_150 : vector<16xi32>
      %jit3A_152 = arith.constant -0.570472777 : f32
      %broadcast_in_dim3A_153 = vector.broadcast %jit3A_152 : f32 to vector<16xf32>
      %select_n3A_154 = arith.select %eq3A_151, %broadcast_in_dim3A_153, %select_n3A_148 : vector<16xi1>, vector<16xf32>
      %eq3A_155 = arith.constant 11 : i32
      %eq3A_156 = vector.broadcast %eq3A_155 : i32 to vector<16xi32>
      %eq3A_157 = arith.cmpi eq, %iota3A, %eq3A_156 : vector<16xi32>
      %jit3A_158 = arith.constant -0.27418074 : f32
      %broadcast_in_dim3A_159 = vector.broadcast %jit3A_158 : f32 to vector<16xf32>
      %select_n3A_160 = arith.select %eq3A_157, %broadcast_in_dim3A_159, %select_n3A_154 : vector<16xi1>, vector<16xf32>
      %eq3A_161 = arith.constant 12 : i32
      %eq3A_162 = vector.broadcast %eq3A_161 : i32 to vector<16xi32>
      %eq3A_163 = arith.cmpi eq, %iota3A, %eq3A_162 : vector<16xi32>
      %jit3A_164 = arith.constant -2.48729086 : f32
      %broadcast_in_dim3A_165 = vector.broadcast %jit3A_164 : f32 to vector<16xf32>
      %select_n3A_166 = arith.select %eq3A_163, %broadcast_in_dim3A_165, %select_n3A_160 : vector<16xi1>, vector<16xf32>
      %eq3A_167 = arith.constant 13 : i32
      %eq3A_168 = vector.broadcast %eq3A_167 : i32 to vector<16xi32>
      %eq3A_169 = arith.cmpi eq, %iota3A, %eq3A_168 : vector<16xi32>
      %jit3A_170 = arith.constant -0.19743228 : f32
      %broadcast_in_dim3A_171 = vector.broadcast %jit3A_170 : f32 to vector<16xf32>
      %select_n3A_172 = arith.select %eq3A_169, %broadcast_in_dim3A_171, %select_n3A_166 : vector<16xi1>, vector<16xf32>
      %eq3A_173 = arith.constant 14 : i32
      %eq3A_174 = vector.broadcast %eq3A_173 : i32 to vector<16xi32>
      %eq3A_175 = arith.cmpi eq, %iota3A, %eq3A_174 : vector<16xi32>
      %jit3A_176 = arith.constant -0.271723211 : f32
      %broadcast_in_dim3A_177 = vector.broadcast %jit3A_176 : f32 to vector<16xf32>
      %select_n3A_178 = arith.select %eq3A_175, %broadcast_in_dim3A_177, %select_n3A_172 : vector<16xi1>, vector<16xf32>
      %eq3A_179 = arith.constant 15 : i32
      %eq3A_180 = vector.broadcast %eq3A_179 : i32 to vector<16xi32>
      %eq3A_181 = arith.cmpi eq, %iota3A, %eq3A_180 : vector<16xi32>
      %jit3A_182 = arith.constant -0.0570968501 : f32
      %broadcast_in_dim3A_183 = vector.broadcast %jit3A_182 : f32 to vector<16xf32>
      %select_n3A_184 = arith.select %eq3A_181, %broadcast_in_dim3A_183, %select_n3A_178 : vector<16xi1>, vector<16xf32>
      %select_n3A_185 = arith.select %broadcast_in_dim3A, %select_n3A_92, %select_n3A_184 : vector<16xi1>, vector<16xf32>
      %broadcast_in_dim3A_186 = arith.constant 1.000000e+00 : f32
      %broadcast_in_dim3A_187 = vector.broadcast %broadcast_in_dim3A_186 : f32 to vector<16xf32>
      %eq3A_188 = arith.constant 1 : i32
      %eq3A_189 = vector.broadcast %eq3A_188 : i32 to vector<16xi32>
      %eq3A_190 = arith.cmpi eq, %iota3A, %eq3A_189 : vector<16xi32>
      %jit3A_191 = arith.constant 1.000000e+00 : f32
      %broadcast_in_dim3A_192 = vector.broadcast %jit3A_191 : f32 to vector<16xf32>
      %select_n3A_193 = arith.select %eq3A_190, %broadcast_in_dim3A_192, %broadcast_in_dim3A_187 : vector<16xi1>, vector<16xf32>
      %eq3A_194 = arith.constant 2 : i32
      %eq3A_195 = vector.broadcast %eq3A_194 : i32 to vector<16xi32>
      %eq3A_196 = arith.cmpi eq, %iota3A, %eq3A_195 : vector<16xi32>
      %jit3A_197 = arith.constant 1.000000e+00 : f32
      %broadcast_in_dim3A_198 = vector.broadcast %jit3A_197 : f32 to vector<16xf32>
      %select_n3A_199 = arith.select %eq3A_196, %broadcast_in_dim3A_198, %select_n3A_193 : vector<16xi1>, vector<16xf32>
      %eq3A_200 = arith.constant 3 : i32
      %eq3A_201 = vector.broadcast %eq3A_200 : i32 to vector<16xi32>
      %eq3A_202 = arith.cmpi eq, %iota3A, %eq3A_201 : vector<16xi32>
      %jit3A_203 = arith.constant 1.000000e+00 : f32
      %broadcast_in_dim3A_204 = vector.broadcast %jit3A_203 : f32 to vector<16xf32>
      %select_n3A_205 = arith.select %eq3A_202, %broadcast_in_dim3A_204, %select_n3A_199 : vector<16xi1>, vector<16xf32>
      %eq3A_206 = arith.constant 4 : i32
      %eq3A_207 = vector.broadcast %eq3A_206 : i32 to vector<16xi32>
      %eq3A_208 = arith.cmpi eq, %iota3A, %eq3A_207 : vector<16xi32>
      %jit3A_209 = arith.constant 1.000000e+00 : f32
      %broadcast_in_dim3A_210 = vector.broadcast %jit3A_209 : f32 to vector<16xf32>
      %select_n3A_211 = arith.select %eq3A_208, %broadcast_in_dim3A_210, %select_n3A_205 : vector<16xi1>, vector<16xf32>
      %eq3A_212 = arith.constant 5 : i32
      %eq3A_213 = vector.broadcast %eq3A_212 : i32 to vector<16xi32>
      %eq3A_214 = arith.cmpi eq, %iota3A, %eq3A_213 : vector<16xi32>
      %jit3A_215 = arith.constant 1.000000e+00 : f32
      %broadcast_in_dim3A_216 = vector.broadcast %jit3A_215 : f32 to vector<16xf32>
      %select_n3A_217 = arith.select %eq3A_214, %broadcast_in_dim3A_216, %select_n3A_211 : vector<16xi1>, vector<16xf32>
      %eq3A_218 = arith.constant 6 : i32
      %eq3A_219 = vector.broadcast %eq3A_218 : i32 to vector<16xi32>
      %eq3A_220 = arith.cmpi eq, %iota3A, %eq3A_219 : vector<16xi32>
      %jit3A_221 = arith.constant 1.000000e+00 : f32
      %broadcast_in_dim3A_222 = vector.broadcast %jit3A_221 : f32 to vector<16xf32>
      %select_n3A_223 = arith.select %eq3A_220, %broadcast_in_dim3A_222, %select_n3A_217 : vector<16xi1>, vector<16xf32>
      %eq3A_224 = arith.constant 7 : i32
      %eq3A_225 = vector.broadcast %eq3A_224 : i32 to vector<16xi32>
      %eq3A_226 = arith.cmpi eq, %iota3A, %eq3A_225 : vector<16xi32>
      %jit3A_227 = arith.constant 1.000000e+00 : f32
      %broadcast_in_dim3A_228 = vector.broadcast %jit3A_227 : f32 to vector<16xf32>
      %select_n3A_229 = arith.select %eq3A_226, %broadcast_in_dim3A_228, %select_n3A_223 : vector<16xi1>, vector<16xf32>
      %eq3A_230 = arith.constant 8 : i32
      %eq3A_231 = vector.broadcast %eq3A_230 : i32 to vector<16xi32>
      %eq3A_232 = arith.cmpi eq, %iota3A, %eq3A_231 : vector<16xi32>
      %jit3A_233 = arith.constant 1.000000e+00 : f32
      %broadcast_in_dim3A_234 = vector.broadcast %jit3A_233 : f32 to vector<16xf32>
      %select_n3A_235 = arith.select %eq3A_232, %broadcast_in_dim3A_234, %select_n3A_229 : vector<16xi1>, vector<16xf32>
      %eq3A_236 = arith.constant 9 : i32
      %eq3A_237 = vector.broadcast %eq3A_236 : i32 to vector<16xi32>
      %eq3A_238 = arith.cmpi eq, %iota3A, %eq3A_237 : vector<16xi32>
      %jit3A_239 = arith.constant 1.000000e+00 : f32
      %broadcast_in_dim3A_240 = vector.broadcast %jit3A_239 : f32 to vector<16xf32>
      %select_n3A_241 = arith.select %eq3A_238, %broadcast_in_dim3A_240, %select_n3A_235 : vector<16xi1>, vector<16xf32>
      %eq3A_242 = arith.constant 10 : i32
      %eq3A_243 = vector.broadcast %eq3A_242 : i32 to vector<16xi32>
      %eq3A_244 = arith.cmpi eq, %iota3A, %eq3A_243 : vector<16xi32>
      %jit3A_245 = arith.constant 1.000000e+00 : f32
      %broadcast_in_dim3A_246 = vector.broadcast %jit3A_245 : f32 to vector<16xf32>
      %select_n3A_247 = arith.select %eq3A_244, %broadcast_in_dim3A_246, %select_n3A_241 : vector<16xi1>, vector<16xf32>
      %eq3A_248 = arith.constant 11 : i32
      %eq3A_249 = vector.broadcast %eq3A_248 : i32 to vector<16xi32>
      %eq3A_250 = arith.cmpi eq, %iota3A, %eq3A_249 : vector<16xi32>
      %jit3A_251 = arith.constant 0.000000e+00 : f32
      %broadcast_in_dim3A_252 = vector.broadcast %jit3A_251 : f32 to vector<16xf32>
      %select_n3A_253 = arith.select %eq3A_250, %broadcast_in_dim3A_252, %select_n3A_247 : vector<16xi1>, vector<16xf32>
      %eq3A_254 = arith.constant 12 : i32
      %eq3A_255 = vector.broadcast %eq3A_254 : i32 to vector<16xi32>
      %eq3A_256 = arith.cmpi eq, %iota3A, %eq3A_255 : vector<16xi32>
      %jit3A_257 = arith.constant 0.000000e+00 : f32
      %broadcast_in_dim3A_258 = vector.broadcast %jit3A_257 : f32 to vector<16xf32>
      %select_n3A_259 = arith.select %eq3A_256, %broadcast_in_dim3A_258, %select_n3A_253 : vector<16xi1>, vector<16xf32>
      %eq3A_260 = arith.constant 13 : i32
      %eq3A_261 = vector.broadcast %eq3A_260 : i32 to vector<16xi32>
      %eq3A_262 = arith.cmpi eq, %iota3A, %eq3A_261 : vector<16xi32>
      %jit3A_263 = arith.constant 1.000000e+00 : f32
      %broadcast_in_dim3A_264 = vector.broadcast %jit3A_263 : f32 to vector<16xf32>
      %select_n3A_265 = arith.select %eq3A_262, %broadcast_in_dim3A_264, %select_n3A_259 : vector<16xi1>, vector<16xf32>
      %eq3A_266 = arith.constant 14 : i32
      %eq3A_267 = vector.broadcast %eq3A_266 : i32 to vector<16xi32>
      %eq3A_268 = arith.cmpi eq, %iota3A, %eq3A_267 : vector<16xi32>
      %jit3A_269 = arith.constant 0.000000e+00 : f32
      %broadcast_in_dim3A_270 = vector.broadcast %jit3A_269 : f32 to vector<16xf32>
      %select_n3A_271 = arith.select %eq3A_268, %broadcast_in_dim3A_270, %select_n3A_265 : vector<16xi1>, vector<16xf32>
      %eq3A_272 = arith.constant 15 : i32
      %eq3A_273 = vector.broadcast %eq3A_272 : i32 to vector<16xi32>
      %eq3A_274 = arith.cmpi eq, %iota3A, %eq3A_273 : vector<16xi32>
      %jit3A_275 = arith.constant 1.000000e+00 : f32
      %broadcast_in_dim3A_276 = vector.broadcast %jit3A_275 : f32 to vector<16xf32>
      %select_n3A_277 = arith.select %eq3A_274, %broadcast_in_dim3A_276, %select_n3A_271 : vector<16xi1>, vector<16xf32>
      %broadcast_in_dim3A_278 = arith.constant 1.000000e+00 : f32
      %broadcast_in_dim3A_279 = vector.broadcast %broadcast_in_dim3A_278 : f32 to vector<16xf32>
      %eq3A_280 = arith.constant 1 : i32
      %eq3A_281 = vector.broadcast %eq3A_280 : i32 to vector<16xi32>
      %eq3A_282 = arith.cmpi eq, %iota3A, %eq3A_281 : vector<16xi32>
      %jit3A_283 = arith.constant 1.000000e+00 : f32
      %broadcast_in_dim3A_284 = vector.broadcast %jit3A_283 : f32 to vector<16xf32>
      %select_n3A_285 = arith.select %eq3A_282, %broadcast_in_dim3A_284, %broadcast_in_dim3A_279 : vector<16xi1>, vector<16xf32>
      %eq3A_286 = arith.constant 2 : i32
      %eq3A_287 = vector.broadcast %eq3A_286 : i32 to vector<16xi32>
      %eq3A_288 = arith.cmpi eq, %iota3A, %eq3A_287 : vector<16xi32>
      %jit3A_289 = arith.constant 1.000000e+00 : f32
      %broadcast_in_dim3A_290 = vector.broadcast %jit3A_289 : f32 to vector<16xf32>
      %select_n3A_291 = arith.select %eq3A_288, %broadcast_in_dim3A_290, %select_n3A_285 : vector<16xi1>, vector<16xf32>
      %eq3A_292 = arith.constant 3 : i32
      %eq3A_293 = vector.broadcast %eq3A_292 : i32 to vector<16xi32>
      %eq3A_294 = arith.cmpi eq, %iota3A, %eq3A_293 : vector<16xi32>
      %jit3A_295 = arith.constant 1.000000e+00 : f32
      %broadcast_in_dim3A_296 = vector.broadcast %jit3A_295 : f32 to vector<16xf32>
      %select_n3A_297 = arith.select %eq3A_294, %broadcast_in_dim3A_296, %select_n3A_291 : vector<16xi1>, vector<16xf32>
      %eq3A_298 = arith.constant 4 : i32
      %eq3A_299 = vector.broadcast %eq3A_298 : i32 to vector<16xi32>
      %eq3A_300 = arith.cmpi eq, %iota3A, %eq3A_299 : vector<16xi32>
      %jit3A_301 = arith.constant 1.000000e+00 : f32
      %broadcast_in_dim3A_302 = vector.broadcast %jit3A_301 : f32 to vector<16xf32>
      %select_n3A_303 = arith.select %eq3A_300, %broadcast_in_dim3A_302, %select_n3A_297 : vector<16xi1>, vector<16xf32>
      %eq3A_304 = arith.constant 5 : i32
      %eq3A_305 = vector.broadcast %eq3A_304 : i32 to vector<16xi32>
      %eq3A_306 = arith.cmpi eq, %iota3A, %eq3A_305 : vector<16xi32>
      %jit3A_307 = arith.constant 1.000000e+00 : f32
      %broadcast_in_dim3A_308 = vector.broadcast %jit3A_307 : f32 to vector<16xf32>
      %select_n3A_309 = arith.select %eq3A_306, %broadcast_in_dim3A_308, %select_n3A_303 : vector<16xi1>, vector<16xf32>
      %eq3A_310 = arith.constant 6 : i32
      %eq3A_311 = vector.broadcast %eq3A_310 : i32 to vector<16xi32>
      %eq3A_312 = arith.cmpi eq, %iota3A, %eq3A_311 : vector<16xi32>
      %jit3A_313 = arith.constant 1.000000e+00 : f32
      %broadcast_in_dim3A_314 = vector.broadcast %jit3A_313 : f32 to vector<16xf32>
      %select_n3A_315 = arith.select %eq3A_312, %broadcast_in_dim3A_314, %select_n3A_309 : vector<16xi1>, vector<16xf32>
      %eq3A_316 = arith.constant 7 : i32
      %eq3A_317 = vector.broadcast %eq3A_316 : i32 to vector<16xi32>
      %eq3A_318 = arith.cmpi eq, %iota3A, %eq3A_317 : vector<16xi32>
      %jit3A_319 = arith.constant 1.000000e+00 : f32
      %broadcast_in_dim3A_320 = vector.broadcast %jit3A_319 : f32 to vector<16xf32>
      %select_n3A_321 = arith.select %eq3A_318, %broadcast_in_dim3A_320, %select_n3A_315 : vector<16xi1>, vector<16xf32>
      %eq3A_322 = arith.constant 8 : i32
      %eq3A_323 = vector.broadcast %eq3A_322 : i32 to vector<16xi32>
      %eq3A_324 = arith.cmpi eq, %iota3A, %eq3A_323 : vector<16xi32>
      %jit3A_325 = arith.constant 1.000000e+00 : f32
      %broadcast_in_dim3A_326 = vector.broadcast %jit3A_325 : f32 to vector<16xf32>
      %select_n3A_327 = arith.select %eq3A_324, %broadcast_in_dim3A_326, %select_n3A_321 : vector<16xi1>, vector<16xf32>
      %eq3A_328 = arith.constant 9 : i32
      %eq3A_329 = vector.broadcast %eq3A_328 : i32 to vector<16xi32>
      %eq3A_330 = arith.cmpi eq, %iota3A, %eq3A_329 : vector<16xi32>
      %jit3A_331 = arith.constant 0.000000e+00 : f32
      %broadcast_in_dim3A_332 = vector.broadcast %jit3A_331 : f32 to vector<16xf32>
      %select_n3A_333 = arith.select %eq3A_330, %broadcast_in_dim3A_332, %select_n3A_327 : vector<16xi1>, vector<16xf32>
      %eq3A_334 = arith.constant 10 : i32
      %eq3A_335 = vector.broadcast %eq3A_334 : i32 to vector<16xi32>
      %eq3A_336 = arith.cmpi eq, %iota3A, %eq3A_335 : vector<16xi32>
      %jit3A_337 = arith.constant 1.000000e+00 : f32
      %broadcast_in_dim3A_338 = vector.broadcast %jit3A_337 : f32 to vector<16xf32>
      %select_n3A_339 = arith.select %eq3A_336, %broadcast_in_dim3A_338, %select_n3A_333 : vector<16xi1>, vector<16xf32>
      %eq3A_340 = arith.constant 11 : i32
      %eq3A_341 = vector.broadcast %eq3A_340 : i32 to vector<16xi32>
      %eq3A_342 = arith.cmpi eq, %iota3A, %eq3A_341 : vector<16xi32>
      %jit3A_343 = arith.constant 1.000000e+00 : f32
      %broadcast_in_dim3A_344 = vector.broadcast %jit3A_343 : f32 to vector<16xf32>
      %select_n3A_345 = arith.select %eq3A_342, %broadcast_in_dim3A_344, %select_n3A_339 : vector<16xi1>, vector<16xf32>
      %eq3A_346 = arith.constant 12 : i32
      %eq3A_347 = vector.broadcast %eq3A_346 : i32 to vector<16xi32>
      %eq3A_348 = arith.cmpi eq, %iota3A, %eq3A_347 : vector<16xi32>
      %jit3A_349 = arith.constant 1.000000e+00 : f32
      %broadcast_in_dim3A_350 = vector.broadcast %jit3A_349 : f32 to vector<16xf32>
      %select_n3A_351 = arith.select %eq3A_348, %broadcast_in_dim3A_350, %select_n3A_345 : vector<16xi1>, vector<16xf32>
      %eq3A_352 = arith.constant 13 : i32
      %eq3A_353 = vector.broadcast %eq3A_352 : i32 to vector<16xi32>
      %eq3A_354 = arith.cmpi eq, %iota3A, %eq3A_353 : vector<16xi32>
      %jit3A_355 = arith.constant 1.000000e+00 : f32
      %broadcast_in_dim3A_356 = vector.broadcast %jit3A_355 : f32 to vector<16xf32>
      %select_n3A_357 = arith.select %eq3A_354, %broadcast_in_dim3A_356, %select_n3A_351 : vector<16xi1>, vector<16xf32>
      %eq3A_358 = arith.constant 14 : i32
      %eq3A_359 = vector.broadcast %eq3A_358 : i32 to vector<16xi32>
      %eq3A_360 = arith.cmpi eq, %iota3A, %eq3A_359 : vector<16xi32>
      %jit3A_361 = arith.constant 1.000000e+00 : f32
      %broadcast_in_dim3A_362 = vector.broadcast %jit3A_361 : f32 to vector<16xf32>
      %select_n3A_363 = arith.select %eq3A_360, %broadcast_in_dim3A_362, %select_n3A_357 : vector<16xi1>, vector<16xf32>
      %eq3A_364 = arith.constant 15 : i32
      %eq3A_365 = vector.broadcast %eq3A_364 : i32 to vector<16xi32>
      %eq3A_366 = arith.cmpi eq, %iota3A, %eq3A_365 : vector<16xi32>
      %jit3A_367 = arith.constant 0.000000e+00 : f32
      %broadcast_in_dim3A_368 = vector.broadcast %jit3A_367 : f32 to vector<16xf32>
      %select_n3A_369 = arith.select %eq3A_366, %broadcast_in_dim3A_368, %select_n3A_363 : vector<16xi1>, vector<16xf32>
      %select_n3A_370 = arith.select %broadcast_in_dim3A, %select_n3A_277, %select_n3A_369 : vector<16xi1>, vector<16xf32>
      %get3A = arith.constant 0 : i32
      %get3A_371 = arith.index_cast %get3A : i32 to index
      %get3A_372 = arith.constant 0 : index
      %get3A_373 = tpu.vector_load %arg4[%get3A_371, %get3A_372] {strides = array<i32>} : memref<2x16xf32, #tpu.memory_space<vmem>>, vector<16xf32>,
      %get3A_374 = arith.constant 1 : i32
      %get3A_375 = arith.index_cast %get3A_374 : i32 to index
      %get3A_376 = arith.constant 0 : index
      %get3A_377 = tpu.vector_load %arg4[%get3A_375, %get3A_376] {strides = array<i32>} : memref<2x16xf32, #tpu.memory_space<vmem>>, vector<16xf32>,
      %add3A = arith.addf %get3A_373, %get3A_377 : vector<16xf32>
      %mul3A = arith.constant 5.000000e-01 : f32
      %mul3A_378 = vector.broadcast %mul3A : f32 to vector<16xf32>
      %mul3A_379 = arith.mulf %add3A, %mul3A_378 : vector<16xf32>
      %div3A = arith.divf %select_n3A_185, %mul3A_379 : vector<16xf32>
      %exp3A = math.exp %div3A : vector<16xf32>
      %masked_sort3A = arith.constant dense<true> : vector<16xi1>
      %masked_sort3A_380, %masked_sort3A_381, %masked_sort3A_382 = tpu.sort %exp3A, %exp3A masked %masked_sort3A : (vector<16xf32>, vector<16xf32>, vector<16xi1>) -> (vector<16xi1>, vector<16xf32>, vector<16xf32>)
      %eq3A_383 = arith.constant 8 : i32
      %eq3A_384 = vector.broadcast %eq3A_383 : i32 to vector<16xi32>
      %eq3A_385 = arith.cmpi eq, %iota3A, %eq3A_384 : vector<16xi32>
      %jit3A_386 = arith.constant 0.000000e+00 : f32
      %broadcast_in_dim3A_387 = vector.broadcast %jit3A_386 : f32 to vector<16xf32>
      %select_n3A_388 = arith.select %eq3A_385, %masked_sort3A_381, %broadcast_in_dim3A_387 : vector<16xi1>, vector<16xf32>
      %reduce_sum3A = arith.constant true
      %reduce_sum3A_389 = vector.broadcast %reduce_sum3A : i1 to vector<16xi1>
      %reduce_sum3A_390 = tpu.scan <sum>, %select_n3A_388 masked %reduce_sum3A_389 : vector<16xf32>, vector<16xi1> -> vector<16xf32>
      %reduce_sum3A_391 = vector.extract %reduce_sum3A_390[15] : f32 from vector<16xf32>
      %ge3A = vector.broadcast %reduce_sum3A_391 : f32 to vector<16xf32>
      %ge3A_392 = arith.cmpf oge, %exp3A, %ge3A : vector<16xf32>
      %reduce_sum3A_393 = arith.constant true
      %reduce_sum3A_394 = vector.broadcast %reduce_sum3A_393 : i1 to vector<16xi1>
      %reduce_sum3A_395 = tpu.scan <sum>, %mul3A_379 masked %reduce_sum3A_394 : vector<16xf32>, vector<16xi1> -> vector<16xf32>
      %reduce_sum3A_396 = vector.extract %reduce_sum3A_395[15] : f32 from vector<16xf32>
      %broadcast_in_dim3A_397 = vector.broadcast %reduce_sum3A_396 : f32 to vector<16xf32>
      %jit3A_398 = arith.constant 0.000000e+00 : f32
      %broadcast_in_dim3A_399 = vector.broadcast %jit3A_398 : f32 to vector<16xf32>
      %select_n3A_400 = arith.select %ge3A_392, %mul3A_379, %broadcast_in_dim3A_399 : vector<16xi1>, vector<16xf32>
      %reduce_sum3A_401 = arith.constant true
      %reduce_sum3A_402 = vector.broadcast %reduce_sum3A_401 : i1 to vector<16xi1>
      %reduce_sum3A_403 = tpu.scan <sum>, %select_n3A_400 masked %reduce_sum3A_402 : vector<16xf32>, vector<16xi1> -> vector<16xf32>
      %reduce_sum3A_404 = vector.extract %reduce_sum3A_403[15] : f32 from vector<16xf32>
      %broadcast_in_dim3A_405 = vector.broadcast %reduce_sum3A_404 : f32 to vector<16xf32>
      %div3A_406 = arith.divf %broadcast_in_dim3A_397, %broadcast_in_dim3A_405 : vector<16xf32>
      %jit3A_407 = arith.constant 0.000000e+00 : f32
      %broadcast_in_dim3A_408 = vector.broadcast %jit3A_407 : f32 to vector<16xf32>
      %select_n3A_409 = arith.select %ge3A_392, %select_n3A_370, %broadcast_in_dim3A_408 : vector<16xi1>, vector<16xf32>
      %mul3A_410 = arith.mulf %select_n3A_409, %div3A_406 : vector<16xf32>
      %mul3A_411 = arith.mulf %mul3A_410, %get3A_373 : vector<16xf32>
      %swap3A = arith.constant 0 : i32
      %swap3A_412 = arith.index_cast %swap3A : i32 to index
      %swap3A_413 = arith.constant 0 : index
      %swap3A_414 = tpu.vector_load %arg5[%swap3A_412, %swap3A_413] {strides = array<i32>} : memref<2x16xf32, #tpu.memory_space<vmem>>, vector<16xf32>,
      tpu.vector_store %arg5[%swap3A_412, %swap3A_413], %mul3A_411 {strides = array<i32>} : memref<2x16xf32, #tpu.memory_space<vmem>>, vector<16xf32>,
      %mul3A_415 = arith.mulf %mul3A_410, %get3A_377 : vector<16xf32>
      %swap3A_416 = arith.constant 1 : i32
      %swap3A_417 = arith.index_cast %swap3A_416 : i32 to index
      %swap3A_418 = arith.constant 0 : index
      %swap3A_419 = tpu.vector_load %arg5[%swap3A_417, %swap3A_418] {strides = array<i32>} : memref<2x16xf32, #tpu.memory_space<vmem>>, vector<16xf32>,
      tpu.vector_store %arg5[%swap3A_417, %swap3A_418], %mul3A_415 {strides = array<i32>} : memref<2x16xf32, #tpu.memory_space<vmem>>, vector<16xf32>,
      "tpu.region"() ({
        %run_scoped3A = tpu.sem_alloc : memref<!tpu.dma_semaphore, #tpu.memory_space<semaphore_mem>>
        %dma_start3A = arith.constant 0 : i32
        %dma_start3A_420 = arith.constant 0 : i32
        %dma_start3A_421 = tpu.memref_slice %arg3[%arg1, %dma_start3A, %dma_start3A_420] : memref<2x2x16xf32, #tpu.memory_space<hbm>> -> memref<1x2x16xf32, #tpu.memory_space<hbm>>
        %dma_start3A_422 = tpu.memref_squeeze %dma_start3A_421 : memref<1x2x16xf32, #tpu.memory_space<hbm>> -> memref<2x16xf32, #tpu.memory_space<hbm>>
        %dma_start3A_423 = arith.constant 0 : i32
        %dma_start3A_424 = arith.constant 0 : i32
        %dma_start3A_425 = tpu.memref_slice %arg3[%arg1, %dma_start3A_423, %dma_start3A_424] : memref<2x2x16xf32, #tpu.memory_space<hbm>> -> memref<1x2x16xf32, #tpu.memory_space<hbm>>
        %dma_start3A_426 = tpu.memref_squeeze %dma_start3A_425 : memref<1x2x16xf32, #tpu.memory_space<hbm>> -> memref<2x16xf32, #tpu.memory_space<hbm>>
        tpu.enqueue_dma source(%arg5 : memref<2x16xf32, #tpu.memory_space<vmem>>) target(%dma_start3A_426 : memref<2x16xf32, #tpu.memory_space<hbm>>) target_semaphore(%run_scoped3A : memref<!tpu.dma_semaphore, #tpu.memory_space<semaphore_mem>>)
        %dma_wait3A = arith.constant 0 : i32
        %dma_wait3A_427 = arith.constant 0 : i32
        %dma_wait3A_428 = tpu.memref_slice %arg3[%arg1, %dma_wait3A, %dma_wait3A_427] : memref<2x2x16xf32, #tpu.memory_space<hbm>> -> memref<1x2x16xf32, #tpu.memory_space<hbm>>
        %dma_wait3A_429 = tpu.memref_squeeze %dma_wait3A_428 : memref<1x2x16xf32, #tpu.memory_space<hbm>> -> memref<2x16xf32, #tpu.memory_space<hbm>>
        %dma_wait3A_430 = arith.constant 0 : i32
        %dma_wait3A_431 = arith.constant 0 : i32
        %dma_wait3A_432 = tpu.memref_slice %arg3[%arg1, %dma_wait3A_430, %dma_wait3A_431] : memref<2x2x16xf32, #tpu.memory_space<hbm>> -> memref<1x2x16xf32, #tpu.memory_space<hbm>>
        %dma_wait3A_433 = tpu.memref_squeeze %dma_wait3A_432 : memref<1x2x16xf32, #tpu.memory_space<hbm>> -> memref<2x16xf32, #tpu.memory_space<hbm>>
        tpu.wait_dma2 semaphore(%run_scoped3A : memref<!tpu.dma_semaphore, #tpu.memory_space<semaphore_mem>>) src(%arg5 : memref<2x16xf32, #tpu.memory_space<vmem>>) dst(%dma_wait3A_433 : memref<2x16xf32, #tpu.memory_space<hbm>>)
        tpu.yield
      }) : () -> ()
    } else {
    }
    return
  }
}

</mosaic_0001>

<sc_bundles>
// kernel: kernel.3.cloned.1.call-start
scs
__scs_entry_jumppad:
0x0: {  	(pc) =	sbr.rel $0x88, $3  }
0x1: {  	(tag) =	ssettag $0x0;
	lr =	simm.s32 $0x1  }
0x2: {  	[smem:$0x3FA0] =	sst lr;
	_ =	strace $0xD0000000  }
0x3: {  	_ = 	snop  }
0x4: {  	_ = 	snop  }
0x5: {  	_ = 	snop  }
0x6: {  	_ = 	snop  }
0x7: {  	_ = 	snop  }
__scs_overlays_trampoline_lowered:
0x8: {  	[smem:$0x3FAF] =	sst s0  }
0x9: {  	[smem:$0x3FB0] =	sst s1  }
0xa: {  	[smem:$0x3FB1] =	sst s2  }
0xb: {  	[smem:$0x3FB2] =	sst s3  }
0xc: {  	[smem:$0x3FB3] =	sst s4  }
0xd: {  	[smem:$0x3FB4] =	sst s5  }
0xe: {  	[smem:$0x3FB5] =	sst s6  }
0xf: {  	[smem:$0x3FB6] =	sst s7  }
0x10: {  	[smem:$0x3FB7] =	sst s8  }
0x11: {  	[smem:$0x3FB8] =	sst s9;
	s0 =	simm.s32 @!p0 $0x0  }
0x12: {  	s1 =	sld [smem:$0x3F9E];
	s0 =	simm.s32 @p0 $0x1  }
0x13: {  	[smem:$0x3FB9] =	sst s0;
	s0 =	simm.s32 @!p1 $0x0  }
0x14: {  	s2 =	sld [smem:$0x3F9D];
	s0 =	simm.s32 @p1 $0x1  }
0x15: {  	[smem:$0x3FBA] =	sst s0;
	s0 =	simm.s32 @!p2 $0x0  }
0x16: {  	s3 =	sld [smem:$0x3FDB];
	s0 =	simm.s32 @p2 $0x1  }
0x17: {  	s4 =	simm.s32 $0x1BF5;
	[smem:$0x3FBC] =	sst s0  }
0x18: {  	s0 =	sld [smem:$0x3F9F];
	_ =	swait.ge [sflag:s4], $0x0  }
0x19: {  	s7 =	sld [smem:$0x3FA0]  }
0x1a: {  	s8 =	sadd.s32 $0xFFFFE003, lr  }
0x1b: {  	s9 =	sadd.s32 $0xFFFFFEF7, lr;
	s5 =	simm.s32 $0xFFFFFFFF;
	p2 =	slt.u32 s8, $0xFFFFF086  }
0x1c: {  	p1 =	slt.u32 s9, $0xF7A;
	s5 =	simm.s32 @!p2 $0x0  }
0x1d: {  	s5 =	simm.s32 @p1 $0x1;
	p0 =	seq.s32 s7, s2  }
0x1e: {  	s7 =	smul.u32 @!p0 $0xF7A, s2;
	p2 =	seq.s32 @!p0 s5, $0x0  }
0x1f: {  	s9 =	smul.u32 $0xF7A, s1;
	s8 =	simm.s32 @!p0 $0x1BF5;
	p2 =	por !p2, p0  }
0x20: {  	[sflag:s8] =	ssyncset.s32 @!p0 $0xFFFFF086;
	s6 =	sadd.s32 @!p0 s3, s7;
	s7 =	simm.s32 @!p0 $0x108  }
0x21: {  	s3 =	sadd.s32 s3, s9;
	s6 =	sadd.s32 @!p0 $0x88, s6;
	s7 =	simm.s32 @p2 $0x1082  }
0x22: {  	[simem:s7], [sflag:s8] =	dma.local @!p0 [hbm:s6], $0xF7A  }
0x23: {  	s9 =	sor.u32 $0xD0000000, s2;
	s6 =	simm.s32 $0x108;
	_ =	swait.ge @!p0 [sflag:s8], $0x0  }
0x24: {  	s3 =	sadd.s32 $0x88, s3;
	s6 =	simm.s32 @!p1 $0x1082;
	[sflag:s4] =	ssyncset.s32 $0xFFFFF086  }
0x25: {  	[simem:s6], [sflag:s4] =	dma.local [hbm:s3], $0xF7A  }
0x26: {  	[smem:$0x3FA0] =	sst s1;
	(tag) =	ssettag s2;
	_ =	strace s9  }
0x27: {  	s1 =	sld [smem:$0x3FB0]  }
0x28: {  	s2 =	sld [smem:$0x3FB1]  }
0x29: {  	s4 =	sld [smem:$0x3FB3]  }
0x2a: {  	p0 =	seq.s32 s5, $0x0;
	s5 =	sld [smem:$0x3FB4]  }
0x2b: {  	s6 =	sld [smem:$0x3FB5]  }
0x2c: {  	s7 =	sld [smem:$0x3FB6]  }
0x2d: {  	s3 =	simm.s32 $0x108;
	s8 =	sld [smem:$0x3FB7]  }
0x2e: {  	s3 =	simm.s32 @!p0 $0x1082;
	s9 =	sld [smem:$0x3FB8]  }
0x2f: {  	lr =	sadd.s32 s0, s3;
	s0 =	sld [smem:$0x3FAF]  }
0x30: {  	s3 =	sld [smem:$0x3FB2]  }
0x31: {  	[smem:$0x3FBB] =	sst s10  }
0x32: {  	s10 =	sld [smem:$0x3FB9];
	_ =	sdelay $0x3  }
0x33: {  	p0 =	seq.s32 s10, $0x1;
	s10 =	sld [smem:$0x3FBB];
	_ =	sdelay $0x3  }
0x34: {  	[smem:$0x3FBB] =	sst s10  }
0x35: {  	s10 =	sld [smem:$0x3FBA];
	_ =	sdelay $0x3  }
0x36: {  	p1 =	seq.s32 s10, $0x1;
	s10 =	sld [smem:$0x3FBB];
	_ =	sdelay $0x3  }
0x37: {  	[smem:$0x3FBB] =	sst s10  }
0x38: {  	s10 =	sld [smem:$0x3FBC]  }
0x39: {  	_ = 	snop;
	(pc) =	sbr.ind lr, $3  }
0x3a: {  	_ = 	snop  }
0x3b: {  	_ = 	snop  }
0x3c: {  	p2 =	seq.s32 s10, $0x1;
	s10 =	sld [smem:$0x3FBB]  }
0x3d: {  	_ =	shalt  }
0x3e: {  	_ =	shalt  }
0x3f: {  	_ =	shalt  }
0x40: {  	_ =	shalt  }
0x41: {  	_ =	shalt  }
0x42: {  	_ =	shalt  }
0x43: {  	_ =	shalt  }
0x44: {  	_ =	shalt  }
0x45: {  	_ =	shalt  }
0x46: {  	_ =	shalt  }
0x47: {  	_ =	shalt  }
0x48: {  	_ =	shalt  }
0x49: {  	_ =	shalt  }
0x4a: {  	_ =	shalt  }
0x4b: {  	_ =	shalt  }
0x4c: {  	_ =	shalt  }
0x4d: {  	_ =	shalt  }
0x4e: {  	_ =	shalt  }
0x4f: {  	_ =	shalt  }
0x50: {  	_ =	shalt  }
0x51: {  	_ =	shalt  }
0x52: {  	_ =	shalt  }
0x53: {  	_ =	shalt  }
0x54: {  	_ =	shalt  }
0x55: {  	_ =	shalt  }
0x56: {  	_ =	shalt  }
0x57: {  	_ =	shalt  }
0x58: {  	_ =	shalt  }
0x59: {  	_ =	shalt  }
0x5a: {  	_ =	shalt  }
0x5b: {  	_ =	shalt  }
0x5c: {  	_ =	shalt  }
0x5d: {  	_ =	shalt  }
0x5e: {  	_ =	shalt  }
0x5f: {  	_ =	shalt  }
0x60: {  	_ =	shalt  }
0x61: {  	_ =	shalt  }
0x62: {  	_ =	shalt  }
0x63: {  	_ =	shalt  }
0x64: {  	_ =	shalt  }
0x65: {  	_ =	shalt  }
0x66: {  	_ =	shalt  }
0x67: {  	_ =	shalt  }
0x68: {  	_ =	shalt  }
0x69: {  	_ =	shalt  }
0x6a: {  	_ =	shalt  }
0x6b: {  	_ =	shalt  }
0x6c: {  	_ =	shalt  }
0x6d: {  	_ =	shalt  }
0x6e: {  	_ =	shalt  }
0x6f: {  	_ =	shalt  }
0x70: {  	_ =	shalt  }
0x71: {  	_ =	shalt  }
0x72: {  	_ =	shalt  }
0x73: {  	_ =	shalt  }
0x74: {  	_ =	shalt  }
0x75: {  	_ =	shalt  }
0x76: {  	_ =	shalt  }
0x77: {  	_ =	shalt  }
0x78: {  	_ =	shalt  }
0x79: {  	_ =	shalt  }
0x7a: {  	_ =	shalt  }
0x7b: {  	_ =	shalt  }
0x7c: {  	_ =	shalt  }
0x7d: {  	_ =	shalt  }
0x7e: {  	_ =	shalt  }
0x7f: {  	_ =	shalt  }
0x80: {  	_ =	shalt  }
0x81: {  	_ =	shalt  }
0x82: {  	_ =	shalt  }
0x83: {  	_ =	shalt  }
0x84: {  	_ =	shalt  }
0x85: {  	_ =	shalt  }
0x86: {  	_ =	shalt  }
0x87: {  	_ =	shalt  }
.Lfunc_end0:
.L_simem_size_0:
called_computation_lowered:
.L_overlay_start_0:
0x88: {  	s0 =	sld [smem:$0x3FD9]  }
0x89: {  	s1 =	sld [smem:$0x3FFE];
	_ =	sdelay $0x3  }
0x8a: {  	s0 =	sadd.s32 s1, s0  }
0x8b: {  	[smem:$0x3FC7] =	sst s0  }
0x8c: {  	_ = 	snop  }
0x8d: {  	s0 =	sld [smem:$0x3FC9]  }
0x8e: {  	s17 =	sld [smem:$0x3FD0];
	(tm) =	ssettm $0x1  }
0x8f: {  	s2 =	sld [smem:$0x3FFB];
	_ =	sdelay $0x3  }
0x90: {  	_ =	strace s2  }
0x91: {  	s2 =	sld [smem:$0x3FFC];
	_ =	sdelay $0x3  }
0x92: {  	_ =	strace s2  }
0x93: {  	s2 =	sld [smem:$0x3FFD];
	_ =	sdelay $0x3  }
0x94: {  	_ =	strace s2  }
0x95: {  	_ =	strace $0x8FFFFFFF  }
0x96: {  	s18 =	sld [smem:$0x3FDB];
	_ =	sdelay $0x1  }
0x97: {  	s3 =	simm.s32 $_scs_section_size  }
0x98: {  	s4 =	simm.s32 $_size__tile_overlayer_lowered;
	s5 =	simm.s32 $_tile_overlayer_lowered  }
0x99: {  	s21 =	simm.s32 $0x1BFF;
	s20 =	sshll.u32 s5, $0x1;
	s2 =	sadd.s32 s3, s18  }
0x9a: {  	s6 =	simm.s32 $0x0;
	s19 =	sshll.u32 s4, $0x1;
	s4 =	sadd.s32 s20, s2  }
0x9b: {  	[timem:s6], [sflag:s21] =	dma.local [hbm:s4], s19  }
0x9c: {  	_ =	swait.ge [sflag:s21], s19  }
0x9d: {  	s3 =	ssub.s32 $0x0, s19;
	[sflag:s21] =	ssyncset.done $0x0  }
0x9e: {  	[sflag:s21] =	ssyncadd.s32 s3;
	_ =	sdelay $0x1  }
0x9f: {  	s22 =	simm.s32 $0x1B8B  }
0xa0: {  	_ =	swait.ge [sflag:s22], $0x1  }
0xa1: {  	[sflag:s22] =	ssyncset.done $0x0  }
0xa2: {  	s23 =	simm.s32 $0x1B8E;
	[sflag:s22] =	ssyncadd.s32 $0xFFFFFFFF  }
0xa3: {  	s24 =	simm.s32 $execute0_lowered;
	[smem:$0x3FD2] =	sst s23  }
0xa4: {  	s3 =	sshll.u32 s24, $0x1;
	_ =	strace $0x80000046;
	[dreg:$0x1] =	wrdreg $0xFFFFFFFF  }
0xa5: {  	s25 =	simm.s32 $_size_execute0_lowered;
	s2 =	sadd.s32 s2, s3;
	[dreg:$0x0] =	wrdreg $0x0  }
0xa6: {  	s3 =	sshll.u32 s25, $0x1;
	[dreg:$0x2] =	wrdreg s2  }
0xa7: {  	[dreg:$0x3] =	wrdreg s3  }
0xa8: {  	[dreg:$0x4] =	wrdreg $0xC0  }
0xa9: {  	_ =	task [dreg:s6], $0x5FFFF  }
0xaa: {  	[dreg:$0x1] =	wrdreg $0xFFFFFFFF  }
0xab: {  	[dreg:$0x0] =	wrdreg $0x60  }
0xac: {  	[dreg:$0x2] =	wrdreg s0  }
0xad: {  	[dreg:$0x3] =	wrdreg s17  }
0xae: {  	[dreg:$0x4] =	wrdreg $0x9  }
0xaf: {  	_ =	task.clear_ibuf [dreg:s6], $0x5FFFF;
	_ =	strace $0x90000046  }
0xb0: {  	s26 =	simm.s32 $0x9;
	_ =	strace $0x80000048  }
0xb1: {  	_ =	swait.ge [sflag:s26], $0x1  }
0xb2: {  	[sflag:s26] =	ssyncadd.s32 $0xFFFFFFFF  }
0xb3: {  	_ =	strace $0x90000048  }
0xb4: {  	_ =	sfence  }
0xb5: {  	s28 =	sld [smem:$0x0];
	_ =	sdelay $0x1  }
0xb6: {  	s29 =	srdreg.scid  }
0xb7: {  	s30 =	sshll.u32 s29, $0xD;
	s31 =	sshrl.u32 s29, $0x2  }
0xb8: {  	s1 =	sand.u32 $0x1, s29;
	s2 =	sand.u32 $0x4000, s30;
	s0 =	sadd.s32 s31, s28  }
0xb9: {  	s1 =	sor.u32 s2, s1;
	s0 =	sshll.u32 s0, $0x11  }
0xba: {  	s0 =	sor.u32 s0, s1  }
0xbb: {  	s0 =	sadd.s32 $0x8F2B, s0  }
0xbc: {  	[sflag:s0] =	ssyncadd.remote.s32 $0x1  }
0xbd: {  	_ =	sfence.sel $0xFFFF  }
0xbe: {  	[dreg:$0x0] =	wrdreg $0xFFFFFFFF;
	(pc) =	sbr.abs _section_cstart, $3  }
0xbf: {  	[dreg:$0x1] =	wrdreg $0xFFFFFFFF  }
0xc0: {  	_ =	task.clear_ibuf [dreg:s6], $0x2FFFF;
	_ =	strace $0x9FFFFFFF  }
0xc1: {  	(tm) =	ssettm $0x7FFFFFFF  }
tec
execute0_lowered:
.L_overlay_start_1:
0x0: {  	(tag) =	ssettag $0x1  }
0x1: {  	s1 =	stileid.u32  }
0x2: {  	p0 =	sgt.u32 s1, $0x1  }
.Ltmp0:
0x3: {  	_ = 	snop;
	(pc) =	sbr.rel @p0 .LBB2_2-.Ltmp0, $4  }
0x4: {  	s4 =	rddreg [dreg:$0x0]  }
0x5: {  	s3 =	rddreg [dreg:$0x1];
	s2 =	simm.s32 $0x0  }
0x6: {  	[smem:$0x7FF] =	sst s2  }
0x7: {  	s0 =	rddreg [dreg:$0x2];
	_ =	strace $0x80000047  }
0x8: {  	s5 =	sshll.u32 s1, $0x5  }
0x9: {  	s30 =	simm.s32 $0x1;
	s4 =	sadd.s32 s4, s5  }
0xa: {  	[tilespmem:s2], [sflag:$0x1] =	stream.linear.gather [hbm4b:s4+s2], $0x100, $0x38;
	[tilespmem:$0x200] =	vst v63  }
0xb: {  	_ =	swait.ge [sflag:s30], $0x100  }
0xc: {  	[sflag:s30] =	ssyncset.done $0x0  }
0xd: {  	[sflag:s30] =	ssyncadd.s32 $0xFFFFFF00  }
0xe: {  	v1 =	vld [tilespmem:$0x0]  }
0xf: {  	v2 =	vld [tilespmem:$0x80]  }
0x10: {  	v0 =	vimm.f32 $-5.709685010e-02;
	vm0 =	vcmask $0x300;
	vm1 =	vcmask $0x704  }
0x11: {  	vm2 =	vcmask $0xB08;
	vm3 =	vcmask $0xF0C;
	v3 =	vimm.f32 $-2.221134310e-01  }
0x12: {  	vm4 =	vcmask $0x1310;
	v0 =	vsel vm0, $0xBF9831BB, v0;
	v3 =	vsel vm0, $0xBEB4B551, v3  }
0x13: {  	vm13 =	vcmask $0x1714;
	v0 =	vsel vm1, $0xBFF913D8, v0;
	v3 =	vsel vm1, $0xBFB974B0, v3  }
0x14: {  	v0 =	vsel vm2, $0xBF346CAB, v0;
	v3 =	vsel vm2, $0xBE4DE24B, v3;
	v4 =	vadd.f32 v2, v1  }
0x15: {  	vm14 =	vcmask $0x1B18;
	v0 =	vsel vm3, $0xBE31261F, v0;
	v3 =	vsel vm3, $0xBFE21A94, v3  }
0x16: {  	v0 =	vsel vm4, $0xBF58B732, v0;
	v3 =	vsel vm4, $0xC068BA52, v3;
	v4 =	vmul.f32 $5.000000000e-01, v4  }
0x17: {  	vm15 =	vcmask $0x1F1C;
	v0 =	vsel vm13, $0xC04DB139, v0;
	v3 =	vsel vm13, $0xBDA4F703, v3  }
0x18: {  	v0 =	vsel vm14, $0xBB829989, v0;
	v3 =	vsel vm14, $0xBEBAAD0A, v3;
	(erf) = vrcp.f32 v4  }
0x19: {  	vm4 =	vcmask $0x2320;
	v0 =	vsel vm15, $0xBF210A91, v0;
	v3 =	vsel vm15, $0xBF6FFF2A, v3  }
0x1a: {  	vm5 =	vcmask $0x2724;
	v0 =	vsel vm4, $0xBE2D95AA, v0;
	v3 =	vsel vm4, $0xBEB432F2, v3  }
0x1b: {  	vm6 =	vcmask $0x2B28;
	v0 =	vsel vm5, $0xBED73652, v0;
	v3 =	vsel vm5, $0xBF7A567A, v3  }
0x1c: {  	vm7 =	vcmask $0x2F2C;
	v0 =	vsel vm6, $0xBF120A81, v0;
	v3 =	vsel vm6, $0xBE30B4F1, v3  }
0x1d: {  	vm8 =	vcmask $0x3330;
	v0 =	vsel vm7, $0xBE8C616B, v0;
	v3 =	vsel vm7, $0xBFA6960A, v3  }
0x1e: {  	vm9 =	vcmask $0x3734;
	v0 =	vsel vm8, $0xC01F2FC6, v0;
	v3 =	vsel vm8, $0xBFC99505, v3  }
0x1f: {  	vm10 =	vcmask $0x3B38;
	v0 =	vsel vm9, $0xBE4A2BB0, v0;
	v3 =	vsel vm9, $0xBF2C37DA, v3  }
0x20: {  	p0 =	seq.s32 s1, $0x0;
	v0 =	vsel vm10, $0xBE8B1F4E, v0;
	v3 =	vsel vm10, $0xC05251B7, v3  }
0x21: {  	v0 =	vpsel p0, v3, v0;
	v58 =	vpop (erf)  }
0x22: {  	v0 =	vmul.f32 v58, v0;
	_ =	sdelay $0x1  }
0x23: {  	v0 =	vmul.f32 $1.442695020e+00, v0;
	_ =	sdelay $0x1  }
0x24: {  	(erf) = vpow2.f32 v0;
	_ =	sdelay $0x8  }
0x25: {  	v0 =	vpop (erf)  }
0x26: {  	(xrf1) =	vsort.ascd.msk.f32 $0xffff, v0, v0;
	_ =	sdelay $0xd  }
0x27: {  	vm11 =	vcmask $0x1F24;
	v59, _, _ =	vpop (xrf1)  }
0x28: {  	v3 =	vsel vm11, $0x0, v59  }
0x29: {  	(xrf2) =	vadd.scan.msk.f32 $0xffff, v3;
	_ =	sdelay $0x9  }
0x2a: {  	v3, _, _ =	vpop (xrf2)  }
0x2b: {  	v3 =	vbroadcast v3, $0xF;
	_ =	sdelay $0x1  }
0x2c: {  	vm12 =	vge.f32 v0, v3  }
0x2d: {  	(xrf2) =	vadd.scan.msk.f32 $0xffff, v4;
	v0 =	vnsel vm12, $0x0, v4  }
0x2e: {  	(xrf2) =	vadd.scan.msk.f32 $0xffff, v0;
	_ =	sdelay $0x8  }
0x2f: {  	v60, _, _ =	vpop (xrf2)  }
0x30: {  	v61, _, _ =	vpop (xrf2)  }
0x31: {  	v3 =	vbroadcast v61, $0xF;
	_ =	sdelay $0x1  }
0x32: {  	(erf) = vrcp.f32 v3;
	_ =	sdelay $0x5  }
0x33: {  	v62 =	vimm.f32 $0.0e+00;
	v63 =	vimm.f32 $1.000000000e+00  }
0x34: {  	vm13 =	vcmask $0x2300;
	vm14 =	vcmask $0x332C;
	vm15 =	vcmask $0x3B28  }
0x35: {  	v4 =	vsel vm14, $0x0, v63;
	v0 =	vbroadcast v60, $0xF;
	v3 =	vsel vm13, $0x3F800000, v62  }
0x36: {  	v4 =	vsel vm10, $0x0, v4;
	v3 =	vsel vm15, $0x3F800000, v3;
	v5 =	vpop (erf)  }
0x37: {  	v3 =	vpsel p0, v4, v3;
	v0 =	vmul.f32 v5, v0  }
0x38: {  	v3 =	vnsel vm12, $0x0, v3  }
0x39: {  	v0 =	vmul.f32 v0, v3;
	_ =	sdelay $0x1  }
0x3a: {  	v1 =	vmul.f32 v0, v1  }
0x3b: {  	v0 =	vmul.f32 v0, v2  }
0x3c: {  	[tilespmem:$0x100] =	vst v1  }
0x3d: {  	s31 =	simm.s32 $0x100;
	s3 =	sadd.s32 s3, s5;
	[tilespmem:$0x180] =	vst v0  }
0x3e: {  	[hbm4b:s3+s2] =	stream.linear.scatter [tilespmem:s31], [sflag:$0x1], $0x100, $0x38;
	[tilespmem:$0x200] =	vst v63  }
0x3f: {  	_ =	swait.ge [sflag:s30], $0x100  }
0x40: {  	[sflag:s30] =	ssyncset.done $0x0  }
0x41: {  	[sflag:s30] =	ssyncadd.s32 $0xFFFFFF00  }
.LBB2_2:
0x42: {  	_ =	sfence.sel $0x180000  }
0x43: {  	[bflag:$0x0] =	sbarrier.arrive $0xFFFF  }
0x44: {  	p0 =	sne.s32 s1, $0x0;
	_ =	strace $0x90000047  }
0x45: {  	s0 =	sadd.s32 @!p0 $0x100000, s0;
	[bflag:$0x2] =	sbarrier.arrive $0xFFFF  }
0x46: {  	[sflag:s0] =	ssyncadd.tile.s32 @!p0 $0x1;
	_ =	shalt  }
.Lfunc_end2:
_tile_overlayer_lowered:
.L_overlay_start_2:
0x47: {  	(tag) =	ssettag $0x2  }
0x48: {  	s0 =	rddreg [dreg:$0x0];
	s2 =	stileid.u32  }
0x49: {  	s1 =	rddreg [dreg:$0x1];
	p0 =	sne.s32 s2, $0x0  }
0x4a: {  	s3 =	rddreg [dreg:$0x2];
	[bflag:$0x3] =	sbarrier.arrive $0xFFFF;
	s2 =	simm.s32 @!p0 $0x1C01  }
0x4b: {  	[timem:s3], [sflag:s2] =	dma.local @!p0 [hbm:s0], s1  }
0x4c: {  	s0 =	simm.s32 @!p0 $0x1  }
0x4d: {  	_ =	swait.ge @!p0 [sflag:s0], s1  }
0x4e: {  	s1 =	ssub.s32 @!p0 $0x0, s1;
	[sflag:s0] =	ssyncset.done @!p0 $0x0  }
0x4f: {  	[sflag:s0] =	ssyncadd.s32 @!p0 s1  }
0x50: {  	[bflag:$0x3] =	sbarrier.arrive $0xFFFF  }
0x51: {  	_ =	shalt  }

</sc_bundles>
